<compile_context>
chip_gen: v7x
topology: tpu7x:2x2x1
jax: 0.10.2.dev20260603
libtpu: 0.0.44.dev20260713+nightly
codegen_flags: <defaults>
</compile_context>

<pallas_src>
import functools

import jax
import jax.numpy as jnp
from jax import lax
from jax.experimental import pallas as pl
from jax.experimental.pallas import tpu as pltpu
from jax.experimental.pallas import tpu_sc as plsc

_NC = 2
_NS = 16
_NW = _NC * _NS

_BIN_EDGES = (1, 3, 7, 15, 31, 63, 127, 255, 511, 1023, 2047, 4095, 8191, 10000)
_LN_EPS = 1e-5


def _sc_gather(node_features, walks_f, rand_f, mrand_f, pdeg, T):
    b_per_w = T // _NW
    CH = 128
    n_ch = b_per_w // CH

    mesh = plsc.VectorSubcoreMesh(core_axis_name="c", subcore_axis_name="s")

    @functools.partial(
        pl.kernel,
        mesh=mesh,
        out_type=(
            jax.ShapeDtypeStruct((T, node_features.shape[1]), jnp.float32),
            jax.ShapeDtypeStruct((T,), jnp.int32),
        ),
        scratch_types=[
            pltpu.VMEM((b_per_w,), jnp.int32),
            pltpu.VMEM((b_per_w,), jnp.int32),
            pltpu.VMEM((b_per_w,), jnp.int32),
            pltpu.VMEM((b_per_w,), jnp.int32),
            pltpu.VMEM((CH, node_features.shape[1]), jnp.float32),
            pltpu.VMEM((CH,), jnp.int32),
            pltpu.SemaphoreType.DMA,
            pltpu.SemaphoreType.DMA,
        ],
    )
    def k(nf_hbm, walks_hbm, rand_hbm, mrand_hbm, pdeg_hbm,
          rows_out, deg_out, wv, rv, mv, ev, rowsv, degv, sem_r, sem_d):
        wid = lax.axis_index("s") * _NC + lax.axis_index("c")
        base0 = wid * b_per_w
        pltpu.sync_copy(walks_hbm.at[pl.ds(base0, b_per_w)], wv)
        pltpu.sync_copy(rand_hbm.at[pl.ds(base0, b_per_w)], rv)
        pltpu.sync_copy(mrand_hbm.at[pl.ds(base0, b_per_w)], mv)

        def sel_body(j, carry):
            sl = pl.ds(j * 16, 16)
            ev[sl] = jnp.where(mv[sl] != 0, rv[sl], wv[sl])
            return carry

        lax.fori_loop(0, b_per_w // 16, sel_body, 0)

        def ch_body(i, carry):
            base = base0 + i * CH
            loc = pl.ds(i * CH, CH)
            cp_r = pltpu.async_copy(nf_hbm.at[ev.at[loc]], rowsv, sem_r)
            cp_d = pltpu.async_copy(pdeg_hbm.at[wv.at[loc]], degv, sem_d)
            cp_r.wait()
            cp_d.wait()
            pltpu.sync_copy(rowsv, rows_out.at[pl.ds(base, CH)])
            pltpu.sync_copy(degv, deg_out.at[pl.ds(base, CH)])
            return carry

        lax.fori_loop(0, n_ch, ch_body, 0)

    return k(node_features, walks_f, rand_f, mrand_f, pdeg)


def _tc_body(x_ref, meta_ref, w_ref, b_ref, mt_ref, pos_ref, tbl_ref,
             lns_ref, lnb_ref, o_ref, *, R, L, H):
    hi = lax.Precision.HIGHEST
    x = x_ref[...]
    w = w_ref[...]
    dn = (((1,), (1,)), ((), ()))
    y = lax.dot_general(x, w, dn, precision=hi, preferred_element_type=jnp.float32)
    y = y + b_ref[...]
    mproj = lax.dot_general(mt_ref[...], w, dn, precision=hi,
                            preferred_element_type=jnp.float32) + b_ref[...]
    meta = meta_ref[...]
    m = lax.shift_right_logical(meta, 28)
    y = jnp.where(m > 0, mproj, y)
    y = (y.reshape(R // L, L, H) + pos_ref[...][None]).reshape(R, H)
    din = meta & 0x3FFF
    dout = lax.shift_right_logical(meta, 14) & 0x3FFF
    bi = jnp.zeros_like(meta)
    bo = jnp.zeros_like(meta)
    for e in _BIN_EDGES:
        bi = bi + (din > e).astype(jnp.int32)
        bo = bo + (dout > e).astype(jnp.int32)
    col = lax.broadcasted_iota(jnp.int32, (R, 32), 1)
    oh = jnp.logical_or(col == bi, col == bo + 16).astype(jnp.float32)
    y = y + lax.dot_general(oh, tbl_ref[...], (((1,), (0,)), ((), ())),
                            precision=hi, preferred_element_type=jnp.float32)
    mu = jnp.mean(y, axis=1, keepdims=True)
    d = y - mu
    var = jnp.mean(d * d, axis=1, keepdims=True)
    o_ref[...] = d * lax.rsqrt(var + _LN_EPS) * lns_ref[...] + lnb_ref[...]


def _tc_finish(rows, meta, W, b_lin, mask_token, pos2d, tbl, ln_scale, ln_bias):
    T, D = rows.shape
    H = W.shape[0]
    L = pos2d.shape[0]
    R = 1024
    grid = (T // R,)
    body = functools.partial(_tc_body, R=R, L=L, H=H)
    return pl.pallas_call(
        body,
        grid=grid,
        in_specs=[
            pl.BlockSpec((R, D), lambda i: (i, 0)),
            pl.BlockSpec((R, 1), lambda i: (i, 0)),
            pl.BlockSpec((H, D), lambda i: (0, 0)),
            pl.BlockSpec((1, H), lambda i: (0, 0)),
            pl.BlockSpec((1, D), lambda i: (0, 0)),
            pl.BlockSpec((L, H), lambda i: (0, 0)),
            pl.BlockSpec((32, H), lambda i: (0, 0)),
            pl.BlockSpec((1, H), lambda i: (0, 0)),
            pl.BlockSpec((1, H), lambda i: (0, 0)),
        ],
        out_specs=pl.BlockSpec((R, H), lambda i: (i, 0)),
        out_shape=jax.ShapeDtypeStruct((T, H), jnp.float32),
    )(rows, meta, W, b_lin, mask_token, pos2d, tbl, ln_scale, ln_bias)


def kernel(node_features, mask_token, W, b_lin, pos_emb, in_deg_table,
           out_deg_table, ln_scale, ln_bias, walks, mask_masked, mask_random,
           node_in_degree, node_out_degree):
    N, D = node_features.shape
    B, L = walks.shape
    H = W.shape[0]
    T = B * L

    walks_f = walks.astype(jnp.int32).reshape(T)
    rand_f = jax.random.randint(jax.random.key(42), (B, L), 0, N).astype(jnp.int32).reshape(T)
    mrand_f = mask_random.astype(jnp.int32).reshape(T)
    pdeg = (node_in_degree.astype(jnp.int32)
            | (node_out_degree.astype(jnp.int32) << 14))

    rows, deg_g = _sc_gather(node_features, walks_f, rand_f, mrand_f, pdeg, T)

    m_f = (mask_masked & (~mask_random)).astype(jnp.int32).reshape(T)
    meta = (deg_g | (m_f << 28)).reshape(T, 1)

    tbl = jnp.zeros((32, H), jnp.float32)
    tbl = tbl.at[0:in_deg_table.shape[0]].set(in_deg_table)
    tbl = tbl.at[16:16 + out_deg_table.shape[0]].set(out_deg_table)

    out = _tc_finish(rows, meta, W, b_lin.reshape(1, H), mask_token,
                     pos_emb[0], tbl, ln_scale.reshape(1, H),
                     ln_bias.reshape(1, H))
    return out.reshape(B, L, H)

# --- scband reference (transcript-rebuilt; emitter-appended) ---
"""Pipeline reference for scband-graph-bert-embeddings-18588618457346 (READ-ONLY COPY).

The authoritative reference and input builder live on the scoring server;
editing this copy changes nothing except your own understanding.
"""

import jax, jax.numpy as jnp
import numpy as np

N = 100000
B = 1024
L = 128
D_IN = 128
D_H = 128
BIN_EDGES = jnp.array([1, 3, 7, 15, 31, 63, 127, 255, 511, 1023, 2047, 4095, 8191, 10000], dtype=jnp.int64)
LN_EPS = 1e-5


def setup_inputs(seed: int = 0) -> dict:
    key = jax.random.key(seed)
    ks = jax.random.split(key, 12)
    node_features = jax.random.normal(ks[0], (N, D_IN), dtype=jnp.float32)
    walks = jax.random.randint(ks[1], (B, L), 0, N).astype(jnp.int64)
    mask_masked = jax.random.randint(ks[2], (B, L), 0, 2).astype(bool)
    mask_random = jax.random.randint(ks[3], (B, L), 0, 2).astype(bool)
    node_in_degree = jax.random.randint(ks[4], (N,), 0, 10000).astype(jnp.int64)
    node_out_degree = jax.random.randint(ks[5], (N,), 0, 10000).astype(jnp.int64)
    mask_token = jnp.zeros((1, D_IN), dtype=jnp.float32)
    W = jax.random.normal(ks[6], (D_H, D_IN), dtype=jnp.float32) * 0.02
    b_lin = jnp.zeros((D_H,), dtype=jnp.float32)
    pos_emb = jax.random.normal(ks[7], (1, L, D_H), dtype=jnp.float32) * 0.02
    in_deg_table = jax.random.normal(ks[8], (BIN_EDGES.shape[0], D_H), dtype=jnp.float32) * 0.02
    out_deg_table = jax.random.normal(ks[9], (BIN_EDGES.shape[0], D_H), dtype=jnp.float32) * 0.02
    ln_scale = jnp.ones((D_H,), dtype=jnp.float32)
    ln_bias = jnp.zeros((D_H,), dtype=jnp.float32)
    return {
        "node_features": node_features,
        "mask_token": mask_token,
        "W": W,
        "b_lin": b_lin,
        "pos_emb": pos_emb,
        "in_deg_table": in_deg_table,
        "out_deg_table": out_deg_table,
        "ln_scale": ln_scale,
        "ln_bias": ln_bias,
        "walks": walks,
        "mask_masked": mask_masked,
        "mask_random": mask_random,
        "node_in_degree": node_in_degree,
        "node_out_degree": node_out_degree,
    }


def _get_bin_id(deg):
    cmp = deg[:, None] <= BIN_EDGES[None, :]
    return jnp.argmax(cmp.astype(jnp.int64), axis=1)


def reference(node_features, mask_token, W, b_lin, pos_emb, in_deg_table, out_deg_table, ln_scale, ln_bias, walks, mask_masked, mask_random, node_in_degree, node_out_degree):
    # gather walk node features: [B, L, D_IN]
    x = jnp.take(node_features, walks, axis=0)
    # masked token overwrite
    x = jnp.where(mask_masked[..., None], mask_token[0], x)
    # random-replacement tokens (torch uses fresh randint; deterministic key here)
    rand_idx = jax.random.randint(jax.random.key(42), walks.shape, 0, N)
    x = jnp.where(mask_random[..., None], jnp.take(node_features, rand_idx, axis=0), x)
    # linear projection in_dim -> hidden_dim
    x = jnp.einsum('bld,hd->blh', x, W) + b_lin
    # position embeddings
    x = x + pos_emb[:, : x.shape[1], :]
    # degree-bin embeddings
    bin_in = _get_bin_id(node_in_degree)
    x = x + jnp.take(in_deg_table, jnp.take(bin_in, walks, axis=0), axis=0)
    bin_out = _get_bin_id(node_out_degree)
    x = x + jnp.take(out_deg_table, jnp.take(bin_out, walks, axis=0), axis=0)
    # LayerNorm
    mu = jnp.mean(x, axis=-1, keepdims=True)
    var = jnp.mean((x - mu) ** 2, axis=-1, keepdims=True)
    x = (x - mu) / jnp.sqrt(var + LN_EPS) * ln_scale + ln_bias
    # dropout p=0 -> identity
    return x

if __name__ == "__main__":
    import jax
    _d = setup_inputs()
    print(jax.jit(kernel)(*tuple(_d.values())))

</pallas_src>

<mosaic_0001>
#map = affine_map<(d0, d1) -> (0, 0)>
#map1 = affine_map<(d0, d1) -> (0)>
module attributes {stable_mosaic.version = 14 : i64} {
  func.func @k(%arg0: i32, %arg1: i32, %arg2: memref<100000x128xf32, #tpu.memory_space<hbm>>, %arg3: memref<131072xi32, #tpu.memory_space<hbm>>, %arg4: memref<131072xi32, #tpu.memory_space<hbm>>, %arg5: memref<131072xi32, #tpu.memory_space<hbm>>, %arg6: memref<100000xi32, #tpu.memory_space<hbm>>, %arg7: memref<131072x128xf32, #tpu.memory_space<hbm>>, %arg8: memref<131072xi32, #tpu.memory_space<hbm>>, %arg9: memref<4096xi32, #tpu.memory_space<vmem>>, %arg10: memref<4096xi32, #tpu.memory_space<vmem>>, %arg11: memref<4096xi32, #tpu.memory_space<vmem>>, %arg12: memref<4096xi32, #tpu.memory_space<vmem>>, %arg13: memref<128x128xf32, #tpu.memory_space<vmem>>, %arg14: memref<128xi32, #tpu.memory_space<vmem>>, %arg15: memref<!tpu.dma_semaphore, #tpu.memory_space<semaphore_mem>>, %arg16: memref<!tpu.dma_semaphore, #tpu.memory_space<semaphore_mem>>) attributes {dimension_semantics = [#tpu.dimension_semantics<core_parallel>, #tpu.dimension_semantics<subcore_parallel>], iteration_bounds = array<i64: 2, 16>, scalar_prefetch = 0 : i64, scratch_operands = 8 : i64, tpu.core_type = #tpu.core_type<sc_vector_subcore>, window_params = [{transform_indices = #map}, {transform_indices = #map1}, {transform_indices = #map1}, {transform_indices = #map1}, {transform_indices = #map1}, {transform_indices = #map}, {transform_indices = #map1}]} {
    %mul3A = arith.constant 2 : i32
    %mul3A_0 = arith.muli %arg1, %mul3A : i32
    %add3A = arith.addi %mul3A_0, %arg0 : i32
    %mul3A_1 = arith.constant 4096 : i32
    %mul3A_2 = arith.muli %add3A, %mul3A_1 : i32
    "tpu.region"() ({
      %run_scoped3A = tpu.sem_alloc : memref<!tpu.dma_semaphore, #tpu.memory_space<semaphore_mem>>
      %dma_start3A = tpu.memref_slice %arg3[%mul3A_2] : memref<131072xi32, #tpu.memory_space<hbm>> -> memref<4096xi32, #tpu.memory_space<hbm>>
      %dma_start3A_14 = tpu.memref_slice %arg3[%mul3A_2] : memref<131072xi32, #tpu.memory_space<hbm>> -> memref<4096xi32, #tpu.memory_space<hbm>>
      tpu.enqueue_dma source(%dma_start3A_14 : memref<4096xi32, #tpu.memory_space<hbm>>) target(%arg9 : memref<4096xi32, #tpu.memory_space<vmem>>) target_semaphore(%run_scoped3A : memref<!tpu.dma_semaphore, #tpu.memory_space<semaphore_mem>>)
      %dma_wait3A = tpu.memref_slice %arg3[%mul3A_2] : memref<131072xi32, #tpu.memory_space<hbm>> -> memref<4096xi32, #tpu.memory_space<hbm>>
      %dma_wait3A_15 = tpu.memref_slice %arg3[%mul3A_2] : memref<131072xi32, #tpu.memory_space<hbm>> -> memref<4096xi32, #tpu.memory_space<hbm>>
      tpu.wait_dma2 semaphore(%run_scoped3A : memref<!tpu.dma_semaphore, #tpu.memory_space<semaphore_mem>>) src(%dma_wait3A_15 : memref<4096xi32, #tpu.memory_space<hbm>>) dst(%arg9 : memref<4096xi32, #tpu.memory_space<vmem>>)
      tpu.yield
    }) : () -> ()
    "tpu.region"() ({
      %run_scoped3A = tpu.sem_alloc : memref<!tpu.dma_semaphore, #tpu.memory_space<semaphore_mem>>
      %dma_start3A = tpu.memref_slice %arg4[%mul3A_2] : memref<131072xi32, #tpu.memory_space<hbm>> -> memref<4096xi32, #tpu.memory_space<hbm>>
      %dma_start3A_14 = tpu.memref_slice %arg4[%mul3A_2] : memref<131072xi32, #tpu.memory_space<hbm>> -> memref<4096xi32, #tpu.memory_space<hbm>>
      tpu.enqueue_dma source(%dma_start3A_14 : memref<4096xi32, #tpu.memory_space<hbm>>) target(%arg10 : memref<4096xi32, #tpu.memory_space<vmem>>) target_semaphore(%run_scoped3A : memref<!tpu.dma_semaphore, #tpu.memory_space<semaphore_mem>>)
      %dma_wait3A = tpu.memref_slice %arg4[%mul3A_2] : memref<131072xi32, #tpu.memory_space<hbm>> -> memref<4096xi32, #tpu.memory_space<hbm>>
      %dma_wait3A_15 = tpu.memref_slice %arg4[%mul3A_2] : memref<131072xi32, #tpu.memory_space<hbm>> -> memref<4096xi32, #tpu.memory_space<hbm>>
      tpu.wait_dma2 semaphore(%run_scoped3A : memref<!tpu.dma_semaphore, #tpu.memory_space<semaphore_mem>>) src(%dma_wait3A_15 : memref<4096xi32, #tpu.memory_space<hbm>>) dst(%arg10 : memref<4096xi32, #tpu.memory_space<vmem>>)
      tpu.yield
    }) : () -> ()
    "tpu.region"() ({
      %run_scoped3A = tpu.sem_alloc : memref<!tpu.dma_semaphore, #tpu.memory_space<semaphore_mem>>
      %dma_start3A = tpu.memref_slice %arg5[%mul3A_2] : memref<131072xi32, #tpu.memory_space<hbm>> -> memref<4096xi32, #tpu.memory_space<hbm>>
      %dma_start3A_14 = tpu.memref_slice %arg5[%mul3A_2] : memref<131072xi32, #tpu.memory_space<hbm>> -> memref<4096xi32, #tpu.memory_space<hbm>>
      tpu.enqueue_dma source(%dma_start3A_14 : memref<4096xi32, #tpu.memory_space<hbm>>) target(%arg11 : memref<4096xi32, #tpu.memory_space<vmem>>) target_semaphore(%run_scoped3A : memref<!tpu.dma_semaphore, #tpu.memory_space<semaphore_mem>>)
      %dma_wait3A = tpu.memref_slice %arg5[%mul3A_2] : memref<131072xi32, #tpu.memory_space<hbm>> -> memref<4096xi32, #tpu.memory_space<hbm>>
      %dma_wait3A_15 = tpu.memref_slice %arg5[%mul3A_2] : memref<131072xi32, #tpu.memory_space<hbm>> -> memref<4096xi32, #tpu.memory_space<hbm>>
      tpu.wait_dma2 semaphore(%run_scoped3A : memref<!tpu.dma_semaphore, #tpu.memory_space<semaphore_mem>>) src(%dma_wait3A_15 : memref<4096xi32, #tpu.memory_space<hbm>>) dst(%arg11 : memref<4096xi32, #tpu.memory_space<vmem>>)
      tpu.yield
    }) : () -> ()
    %scan3A = arith.constant 0 : i32
    %scan3A_3 = arith.constant 0 : i32
    %scan3A_4 = arith.constant 256 : i32
    %scan3A_5 = arith.addi %scan3A_3, %scan3A_4 : i32
    %scan3A_6 = arith.constant 1 : i32
    scf.for %scan3A_14 = %scan3A_3 to %scan3A_5 step %scan3A_6  : i32 {
      %mul3A_15 = arith.constant 16 : i32
      %mul3A_16 = arith.muli %scan3A_14, %mul3A_15 : i32
      %get3A = arith.index_cast %mul3A_16 : i32 to index
      %get3A_17 = tpu.vector_load %arg11[%get3A] {strides = array<i32>} : memref<4096xi32, #tpu.memory_space<vmem>>, vector<16xi32>,
      %get3A_18 = vector.shape_cast %get3A_17 : vector<16xi32> to vector<16xi32>
      %ne3A = arith.constant 0 : i32
      %ne3A_19 = vector.broadcast %ne3A : i32 to vector<16xi32>
      %ne3A_20 = arith.cmpi ne, %get3A_18, %ne3A_19 : vector<16xi32>
      %get3A_21 = arith.index_cast %mul3A_16 : i32 to index
      %get3A_22 = tpu.vector_load %arg10[%get3A_21] {strides = array<i32>} : memref<4096xi32, #tpu.memory_space<vmem>>, vector<16xi32>,
      %get3A_23 = vector.shape_cast %get3A_22 : vector<16xi32> to vector<16xi32>
      %get3A_24 = arith.index_cast %mul3A_16 : i32 to index
      %get3A_25 = tpu.vector_load %arg9[%get3A_24] {strides = array<i32>} : memref<4096xi32, #tpu.memory_space<vmem>>, vector<16xi32>,
      %get3A_26 = vector.shape_cast %get3A_25 : vector<16xi32> to vector<16xi32>
      %select_n3A = arith.select %ne3A_20, %get3A_23, %get3A_26 : vector<16xi1>, vector<16xi32>
      %swap3A = arith.index_cast %mul3A_16 : i32 to index
      %swap3A_27 = tpu.vector_load %arg12[%swap3A] {strides = array<i32>} : memref<4096xi32, #tpu.memory_space<vmem>>, vector<16xi32>,
      %swap3A_28 = vector.shape_cast %swap3A_27 : vector<16xi32> to vector<16xi32>
      %swap3A_29 = vector.shape_cast %select_n3A : vector<16xi32> to vector<16xi32>
      tpu.vector_store %arg12[%swap3A], %swap3A_29 {strides = array<i32>} : memref<4096xi32, #tpu.memory_space<vmem>>, vector<16xi32>,
    }
    %scan3A_7 = arith.constant 256 : i32
    %scan3A_8 = arith.constant 0 : i32
    %scan3A_9 = arith.constant 0 : i32
    %scan3A_10 = arith.constant 32 : i32
    %scan3A_11 = arith.addi %scan3A_9, %scan3A_10 : i32
    %scan3A_12 = arith.constant 1 : i32
    scf.for %scan3A_14 = %scan3A_9 to %scan3A_11 step %scan3A_12  : i32 {
      %mul3A_15 = arith.constant 128 : i32
      %mul3A_16 = arith.muli %scan3A_14, %mul3A_15 : i32
      %add3A_17 = arith.addi %mul3A_2, %mul3A_16 : i32
      %mul3A_18 = arith.constant 128 : i32
      %mul3A_19 = arith.muli %scan3A_14, %mul3A_18 : i32
      %dma_start3A = tpu.memref_slice %arg12[%mul3A_19] : memref<4096xi32, #tpu.memory_space<vmem>> -> memref<128xi32, #tpu.memory_space<vmem>>
      %dma_start3A_20 = arith.constant 0 : i32
      %dma_start3A_21 = arith.constant 0 : i32
      %dma_start3A_22 = tpu.memref_slice %arg2[%dma_start3A_20, %dma_start3A_21] : memref<100000x128xf32, #tpu.memory_space<hbm>> -> memref<100000x128xf32, #tpu.memory_space<hbm>>
      tpu.enqueue_indirect_dma source(%dma_start3A_22 : memref<100000x128xf32, #tpu.memory_space<hbm>>) target(%arg13 : memref<128x128xf32, #tpu.memory_space<vmem>>) offsets(%dma_start3A : memref<128xi32, #tpu.memory_space<vmem>>) semaphore(%arg15 : memref<!tpu.dma_semaphore, #tpu.memory_space<semaphore_mem>>)
      %dma_start3A_23 = tpu.memref_slice %arg9[%mul3A_19] : memref<4096xi32, #tpu.memory_space<vmem>> -> memref<128xi32, #tpu.memory_space<vmem>>
      %dma_start3A_24 = arith.constant 0 : i32
      %dma_start3A_25 = tpu.memref_slice %arg6[%dma_start3A_24] : memref<100000xi32, #tpu.memory_space<hbm>> -> memref<100000xi32, #tpu.memory_space<hbm>>
      tpu.enqueue_indirect_dma source(%dma_start3A_25 : memref<100000xi32, #tpu.memory_space<hbm>>) target(%arg14 : memref<128xi32, #tpu.memory_space<vmem>>) offsets(%dma_start3A_23 : memref<128xi32, #tpu.memory_space<vmem>>) semaphore(%arg16 : memref<!tpu.dma_semaphore, #tpu.memory_space<semaphore_mem>>)
      %dma_wait3A = tpu.memref_slice %arg12[%mul3A_19] : memref<4096xi32, #tpu.memory_space<vmem>> -> memref<128xi32, #tpu.memory_space<vmem>>
      %dma_wait3A_26 = arith.constant 0 : i32
      %dma_wait3A_27 = arith.constant 0 : i32
      %dma_wait3A_28 = tpu.memref_slice %arg2[%dma_wait3A_26, %dma_wait3A_27] : memref<100000x128xf32, #tpu.memory_space<hbm>> -> memref<100000x128xf32, #tpu.memory_space<hbm>>
      tpu.wait_indirect_dma semaphore(%arg15 : memref<!tpu.dma_semaphore, #tpu.memory_space<semaphore_mem>>) src(%dma_wait3A_28 : memref<100000x128xf32, #tpu.memory_space<hbm>>) dst(%arg13 : memref<128x128xf32, #tpu.memory_space<vmem>>)
      %dma_wait3A_29 = tpu.memref_slice %arg9[%mul3A_19] : memref<4096xi32, #tpu.memory_space<vmem>> -> memref<128xi32, #tpu.memory_space<vmem>>
      %dma_wait3A_30 = arith.constant 0 : i32
      %dma_wait3A_31 = tpu.memref_slice %arg6[%dma_wait3A_30] : memref<100000xi32, #tpu.memory_space<hbm>> -> memref<100000xi32, #tpu.memory_space<hbm>>
      tpu.wait_indirect_dma semaphore(%arg16 : memref<!tpu.dma_semaphore, #tpu.memory_space<semaphore_mem>>) src(%dma_wait3A_31 : memref<100000xi32, #tpu.memory_space<hbm>>) dst(%arg14 : memref<128xi32, #tpu.memory_space<vmem>>)
      "tpu.region"() ({
        %run_scoped3A = tpu.sem_alloc : memref<!tpu.dma_semaphore, #tpu.memory_space<semaphore_mem>>
        %dma_start3A_32 = arith.constant 0 : i32
        %dma_start3A_33 = tpu.memref_slice %arg7[%add3A_17, %dma_start3A_32] : memref<131072x128xf32, #tpu.memory_space<hbm>> -> memref<128x128xf32, #tpu.memory_space<hbm>>
        %dma_start3A_34 = arith.constant 0 : i32
        %dma_start3A_35 = tpu.memref_slice %arg7[%add3A_17, %dma_start3A_34] : memref<131072x128xf32, #tpu.memory_space<hbm>> -> memref<128x128xf32, #tpu.memory_space<hbm>>
        tpu.enqueue_dma source(%arg13 : memref<128x128xf32, #tpu.memory_space<vmem>>) target(%dma_start3A_35 : memref<128x128xf32, #tpu.memory_space<hbm>>) target_semaphore(%run_scoped3A : memref<!tpu.dma_semaphore, #tpu.memory_space<semaphore_mem>>)
        %dma_wait3A_36 = arith.constant 0 : i32
        %dma_wait3A_37 = tpu.memref_slice %arg7[%add3A_17, %dma_wait3A_36] : memref<131072x128xf32, #tpu.memory_space<hbm>> -> memref<128x128xf32, #tpu.memory_space<hbm>>
        %dma_wait3A_38 = arith.constant 0 : i32
        %dma_wait3A_39 = tpu.memref_slice %arg7[%add3A_17, %dma_wait3A_38] : memref<131072x128xf32, #tpu.memory_space<hbm>> -> memref<128x128xf32, #tpu.memory_space<hbm>>
        tpu.wait_dma2 semaphore(%run_scoped3A : memref<!tpu.dma_semaphore, #tpu.memory_space<semaphore_mem>>) src(%arg13 : memref<128x128xf32, #tpu.memory_space<vmem>>) dst(%dma_wait3A_39 : memref<128x128xf32, #tpu.memory_space<hbm>>)
        tpu.yield
      }) : () -> ()
      "tpu.region"() ({
        %run_scoped3A = tpu.sem_alloc : memref<!tpu.dma_semaphore, #tpu.memory_space<semaphore_mem>>
        %dma_start3A_32 = tpu.memref_slice %arg8[%add3A_17] : memref<131072xi32, #tpu.memory_space<hbm>> -> memref<128xi32, #tpu.memory_space<hbm>>
        %dma_start3A_33 = tpu.memref_slice %arg8[%add3A_17] : memref<131072xi32, #tpu.memory_space<hbm>> -> memref<128xi32, #tpu.memory_space<hbm>>
        tpu.enqueue_dma source(%arg14 : memref<128xi32, #tpu.memory_space<vmem>>) target(%dma_start3A_33 : memref<128xi32, #tpu.memory_space<hbm>>) target_semaphore(%run_scoped3A : memref<!tpu.dma_semaphore, #tpu.memory_space<semaphore_mem>>)
        %dma_wait3A_34 = tpu.memref_slice %arg8[%add3A_17] : memref<131072xi32, #tpu.memory_space<hbm>> -> memref<128xi32, #tpu.memory_space<hbm>>
        %dma_wait3A_35 = tpu.memref_slice %arg8[%add3A_17] : memref<131072xi32, #tpu.memory_space<hbm>> -> memref<128xi32, #tpu.memory_space<hbm>>
        tpu.wait_dma2 semaphore(%run_scoped3A : memref<!tpu.dma_semaphore, #tpu.memory_space<semaphore_mem>>) src(%arg14 : memref<128xi32, #tpu.memory_space<vmem>>) dst(%dma_wait3A_35 : memref<128xi32, #tpu.memory_space<hbm>>)
        tpu.yield
      }) : () -> ()
    }
    %scan3A_13 = arith.constant 32 : i32
    return
  }
}

module attributes {stable_mosaic.version = 14 : i64} {
  func.func @_tc_body(%arg0: i32, %arg1: memref<1024x128xf32, #tpu.memory_space<vmem>>, %arg2: memref<1024x1xi32, #tpu.memory_space<vmem>>, %arg3: memref<128x128xf32, #tpu.memory_space<vmem>>, %arg4: memref<1x128xf32, #tpu.memory_space<vmem>>, %arg5: memref<1x128xf32, #tpu.memory_space<vmem>>, %arg6: memref<128x128xf32, #tpu.memory_space<vmem>>, %arg7: memref<32x128xf32, #tpu.memory_space<vmem>>, %arg8: memref<1x128xf32, #tpu.memory_space<vmem>>, %arg9: memref<1x128xf32, #tpu.memory_space<vmem>>, %arg10: memref<1024x128xf32, #tpu.memory_space<vmem>>) attributes {dimension_semantics = [#tpu.dimension_semantics<arbitrary>], iteration_bounds = array<i64: 128>, scalar_prefetch = 0 : i64, scratch_operands = 0 : i64, tpu.core_type = #tpu.core_type<tc>, window_params = [{transform_indices = @transform_0, window_bounds = array<i64: 1024, 128>}, {transform_indices = @transform_1, window_bounds = array<i64: 1024, 1>}, {pipeline_mode = #tpu.pipeline_mode<synchronous>, transform_indices = @transform_2, window_bounds = array<i64: 128, 128>}, {pipeline_mode = #tpu.pipeline_mode<synchronous>, transform_indices = @transform_3, window_bounds = array<i64: 1, 128>}, {pipeline_mode = #tpu.pipeline_mode<synchronous>, transform_indices = @transform_4, window_bounds = array<i64: 1, 128>}, {pipeline_mode = #tpu.pipeline_mode<synchronous>, transform_indices = @transform_5, window_bounds = array<i64: 128, 128>}, {pipeline_mode = #tpu.pipeline_mode<synchronous>, transform_indices = @transform_6, window_bounds = array<i64: 32, 128>}, {pipeline_mode = #tpu.pipeline_mode<synchronous>, transform_indices = @transform_7, window_bounds = array<i64: 1, 128>}, {pipeline_mode = #tpu.pipeline_mode<synchronous>, transform_indices = @transform_8, window_bounds = array<i64: 1, 128>}, {transform_indices = @transform_9, window_bounds = array<i64: 1024, 128>}]} {
    %get3A = arith.constant 0 : index
    %get3A_0 = arith.constant 0 : index
    %get3A_1 = vector.load %arg1[%get3A, %get3A_0] : memref<1024x128xf32, #tpu.memory_space<vmem>>, vector<1024x128xf32>
    %get3A_2 = arith.constant 0 : index
    %get3A_3 = arith.constant 0 : index
    %get3A_4 = vector.load %arg3[%get3A_2, %get3A_3] : memref<128x128xf32, #tpu.memory_space<vmem>>, vector<128x128xf32>
    %dot_general3A = arith.constant dense<0.000000e+00> : vector<1024x128xf32>
    %dot_general3A_5 = tpu.matmul %get3A_1, %get3A_4, %dot_general3A {dimension_numbers = #tpu.dot_dimension_numbers<[1], [1], [0], [0], [0, 0, 1, 0], [], []>, precision = #tpu.contract_precision<fp32>, transpose_lhs_hint = false} : vector<1024x128xf32>, vector<128x128xf32>, vector<1024x128xf32> -> vector<1024x128xf32>
    %get3A_6 = arith.constant 0 : index
    %get3A_7 = arith.constant 0 : index
    %get3A_8 = vector.load %arg4[%get3A_6, %get3A_7] : memref<1x128xf32, #tpu.memory_space<vmem>>, vector<1x128xf32>
    %add3A = vector.broadcast %get3A_8 : vector<1x128xf32> to vector<1024x128xf32>
    %add3A_9 = arith.addf %dot_general3A_5, %add3A : vector<1024x128xf32>
    %get3A_10 = arith.constant 0 : index
    %get3A_11 = arith.constant 0 : index
    %get3A_12 = vector.load %arg5[%get3A_10, %get3A_11] : memref<1x128xf32, #tpu.memory_space<vmem>>, vector<1x128xf32>
    %dot_general3A_13 = arith.constant dense<0.000000e+00> : vector<1x128xf32>
    %dot_general3A_14 = tpu.matmul %get3A_12, %get3A_4, %dot_general3A_13 {dimension_numbers = #tpu.dot_dimension_numbers<[1], [1], [0], [0], [0, 0, 1, 0], [], []>, precision = #tpu.contract_precision<fp32>, transpose_lhs_hint = false} : vector<1x128xf32>, vector<128x128xf32>, vector<1x128xf32> -> vector<1x128xf32>
    %get3A_15 = arith.constant 0 : index
    %get3A_16 = arith.constant 0 : index
    %get3A_17 = vector.load %arg4[%get3A_15, %get3A_16] : memref<1x128xf32, #tpu.memory_space<vmem>>, vector<1x128xf32>
    %add3A_18 = arith.addf %dot_general3A_14, %get3A_17 : vector<1x128xf32>
    %get3A_19 = arith.constant 0 : index
    %get3A_20 = arith.constant 0 : index
    %get3A_21 = vector.load %arg2[%get3A_19, %get3A_20] : memref<1024x1xi32, #tpu.memory_space<vmem>>, vector<1024x1xi32>
    %shift_right_logical3A = arith.constant 28 : i32
    %shift_right_logical3A_22 = vector.broadcast %shift_right_logical3A : i32 to vector<1024x1xi32>
    %shift_right_logical3A_23 = arith.shrui %get3A_21, %shift_right_logical3A_22 : vector<1024x1xi32>
    %gt3A = arith.constant 0 : i32
    %gt3A_24 = vector.broadcast %gt3A : i32 to vector<1024x1xi32>
    %gt3A_25 = arith.cmpi sgt, %shift_right_logical3A_23, %gt3A_24 : vector<1024x1xi32>
    %broadcast_in_dim3A = vector.shape_cast %gt3A_25 : vector<1024x1xi1> to vector<1024x1xi1>
    %broadcast_in_dim3A_26 = vector.broadcast %broadcast_in_dim3A : vector<1024x1xi1> to vector<1024x128xi1>
    %broadcast_in_dim3A_27 = vector.shape_cast %add3A_18 : vector<1x128xf32> to vector<1x128xf32>
    %broadcast_in_dim3A_28 = vector.broadcast %broadcast_in_dim3A_27 : vector<1x128xf32> to vector<1024x128xf32>
    %select_n3A = arith.select %broadcast_in_dim3A_26, %broadcast_in_dim3A_28, %add3A_9 : vector<1024x128xi1>, vector<1024x128xf32>
    %reshape3A = vector.shape_cast %select_n3A : vector<1024x128xf32> to vector<8x128x128xf32>
    %get3A_29 = arith.constant 0 : index
    %get3A_30 = arith.constant 0 : index
    %get3A_31 = vector.load %arg6[%get3A_29, %get3A_30] : memref<128x128xf32, #tpu.memory_space<vmem>>, vector<128x128xf32>
    %broadcast_in_dim3A_32 = vector.shape_cast %get3A_31 : vector<128x128xf32> to vector<1x128x128xf32>
    %add3A_33 = vector.broadcast %broadcast_in_dim3A_32 : vector<1x128x128xf32> to vector<8x128x128xf32>
    %add3A_34 = arith.addf %reshape3A, %add3A_33 : vector<8x128x128xf32>
    %reshape3A_35 = vector.shape_cast %add3A_34 : vector<8x128x128xf32> to vector<1024x128xf32>
    %and3A = arith.constant 16383 : i32
    %and3A_36 = vector.broadcast %and3A : i32 to vector<1024x1xi32>
    %and3A_37 = arith.andi %get3A_21, %and3A_36 : vector<1024x1xi32>
    %shift_right_logical3A_38 = arith.constant 14 : i32
    %shift_right_logical3A_39 = vector.broadcast %shift_right_logical3A_38 : i32 to vector<1024x1xi32>
    %shift_right_logical3A_40 = arith.shrui %get3A_21, %shift_right_logical3A_39 : vector<1024x1xi32>
    %and3A_41 = arith.constant 16383 : i32
    %and3A_42 = vector.broadcast %and3A_41 : i32 to vector<1024x1xi32>
    %and3A_43 = arith.andi %shift_right_logical3A_40, %and3A_42 : vector<1024x1xi32>
    %broadcast_in_dim3A_44 = arith.constant 0 : i32
    %broadcast_in_dim3A_45 = vector.broadcast %broadcast_in_dim3A_44 : i32 to vector<1024x1xi32>
    %broadcast_in_dim3A_46 = arith.constant 0 : i32
    %broadcast_in_dim3A_47 = vector.broadcast %broadcast_in_dim3A_46 : i32 to vector<1024x1xi32>
    %gt3A_48 = arith.constant 1 : i32
    %gt3A_49 = vector.broadcast %gt3A_48 : i32 to vector<1024x1xi32>
    %gt3A_50 = arith.cmpi sgt, %and3A_37, %gt3A_49 : vector<1024x1xi32>
    %convert_element_type3A = arith.extui %gt3A_50 : vector<1024x1xi1> to vector<1024x1xi32>
    %add3A_51 = arith.addi %broadcast_in_dim3A_45, %convert_element_type3A : vector<1024x1xi32>
    %gt3A_52 = arith.constant 1 : i32
    %gt3A_53 = vector.broadcast %gt3A_52 : i32 to vector<1024x1xi32>
    %gt3A_54 = arith.cmpi sgt, %and3A_43, %gt3A_53 : vector<1024x1xi32>
    %convert_element_type3A_55 = arith.extui %gt3A_54 : vector<1024x1xi1> to vector<1024x1xi32>
    %add3A_56 = arith.addi %broadcast_in_dim3A_47, %convert_element_type3A_55 : vector<1024x1xi32>
    %gt3A_57 = arith.constant 3 : i32
    %gt3A_58 = vector.broadcast %gt3A_57 : i32 to vector<1024x1xi32>
    %gt3A_59 = arith.cmpi sgt, %and3A_37, %gt3A_58 : vector<1024x1xi32>
    %convert_element_type3A_60 = arith.extui %gt3A_59 : vector<1024x1xi1> to vector<1024x1xi32>
    %add3A_61 = arith.addi %add3A_51, %convert_element_type3A_60 : vector<1024x1xi32>
    %gt3A_62 = arith.constant 3 : i32
    %gt3A_63 = vector.broadcast %gt3A_62 : i32 to vector<1024x1xi32>
    %gt3A_64 = arith.cmpi sgt, %and3A_43, %gt3A_63 : vector<1024x1xi32>
    %convert_element_type3A_65 = arith.extui %gt3A_64 : vector<1024x1xi1> to vector<1024x1xi32>
    %add3A_66 = arith.addi %add3A_56, %convert_element_type3A_65 : vector<1024x1xi32>
    %gt3A_67 = arith.constant 7 : i32
    %gt3A_68 = vector.broadcast %gt3A_67 : i32 to vector<1024x1xi32>
    %gt3A_69 = arith.cmpi sgt, %and3A_37, %gt3A_68 : vector<1024x1xi32>
    %convert_element_type3A_70 = arith.extui %gt3A_69 : vector<1024x1xi1> to vector<1024x1xi32>
    %add3A_71 = arith.addi %add3A_61, %convert_element_type3A_70 : vector<1024x1xi32>
    %gt3A_72 = arith.constant 7 : i32
    %gt3A_73 = vector.broadcast %gt3A_72 : i32 to vector<1024x1xi32>
    %gt3A_74 = arith.cmpi sgt, %and3A_43, %gt3A_73 : vector<1024x1xi32>
    %convert_element_type3A_75 = arith.extui %gt3A_74 : vector<1024x1xi1> to vector<1024x1xi32>
    %add3A_76 = arith.addi %add3A_66, %convert_element_type3A_75 : vector<1024x1xi32>
    %gt3A_77 = arith.constant 15 : i32
    %gt3A_78 = vector.broadcast %gt3A_77 : i32 to vector<1024x1xi32>
    %gt3A_79 = arith.cmpi sgt, %and3A_37, %gt3A_78 : vector<1024x1xi32>
    %convert_element_type3A_80 = arith.extui %gt3A_79 : vector<1024x1xi1> to vector<1024x1xi32>
    %add3A_81 = arith.addi %add3A_71, %convert_element_type3A_80 : vector<1024x1xi32>
    %gt3A_82 = arith.constant 15 : i32
    %gt3A_83 = vector.broadcast %gt3A_82 : i32 to vector<1024x1xi32>
    %gt3A_84 = arith.cmpi sgt, %and3A_43, %gt3A_83 : vector<1024x1xi32>
    %convert_element_type3A_85 = arith.extui %gt3A_84 : vector<1024x1xi1> to vector<1024x1xi32>
    %add3A_86 = arith.addi %add3A_76, %convert_element_type3A_85 : vector<1024x1xi32>
    %gt3A_87 = arith.constant 31 : i32
    %gt3A_88 = vector.broadcast %gt3A_87 : i32 to vector<1024x1xi32>
    %gt3A_89 = arith.cmpi sgt, %and3A_37, %gt3A_88 : vector<1024x1xi32>
    %convert_element_type3A_90 = arith.extui %gt3A_89 : vector<1024x1xi1> to vector<1024x1xi32>
    %add3A_91 = arith.addi %add3A_81, %convert_element_type3A_90 : vector<1024x1xi32>
    %gt3A_92 = arith.constant 31 : i32
    %gt3A_93 = vector.broadcast %gt3A_92 : i32 to vector<1024x1xi32>
    %gt3A_94 = arith.cmpi sgt, %and3A_43, %gt3A_93 : vector<1024x1xi32>
    %convert_element_type3A_95 = arith.extui %gt3A_94 : vector<1024x1xi1> to vector<1024x1xi32>
    %add3A_96 = arith.addi %add3A_86, %convert_element_type3A_95 : vector<1024x1xi32>
    %gt3A_97 = arith.constant 63 : i32
    %gt3A_98 = vector.broadcast %gt3A_97 : i32 to vector<1024x1xi32>
    %gt3A_99 = arith.cmpi sgt, %and3A_37, %gt3A_98 : vector<1024x1xi32>
    %convert_element_type3A_100 = arith.extui %gt3A_99 : vector<1024x1xi1> to vector<1024x1xi32>
    %add3A_101 = arith.addi %add3A_91, %convert_element_type3A_100 : vector<1024x1xi32>
    %gt3A_102 = arith.constant 63 : i32
    %gt3A_103 = vector.broadcast %gt3A_102 : i32 to vector<1024x1xi32>
    %gt3A_104 = arith.cmpi sgt, %and3A_43, %gt3A_103 : vector<1024x1xi32>
    %convert_element_type3A_105 = arith.extui %gt3A_104 : vector<1024x1xi1> to vector<1024x1xi32>
    %add3A_106 = arith.addi %add3A_96, %convert_element_type3A_105 : vector<1024x1xi32>
    %gt3A_107 = arith.constant 127 : i32
    %gt3A_108 = vector.broadcast %gt3A_107 : i32 to vector<1024x1xi32>
    %gt3A_109 = arith.cmpi sgt, %and3A_37, %gt3A_108 : vector<1024x1xi32>
    %convert_element_type3A_110 = arith.extui %gt3A_109 : vector<1024x1xi1> to vector<1024x1xi32>
    %add3A_111 = arith.addi %add3A_101, %convert_element_type3A_110 : vector<1024x1xi32>
    %gt3A_112 = arith.constant 127 : i32
    %gt3A_113 = vector.broadcast %gt3A_112 : i32 to vector<1024x1xi32>
    %gt3A_114 = arith.cmpi sgt, %and3A_43, %gt3A_113 : vector<1024x1xi32>
    %convert_element_type3A_115 = arith.extui %gt3A_114 : vector<1024x1xi1> to vector<1024x1xi32>
    %add3A_116 = arith.addi %add3A_106, %convert_element_type3A_115 : vector<1024x1xi32>
    %gt3A_117 = arith.constant 255 : i32
    %gt3A_118 = vector.broadcast %gt3A_117 : i32 to vector<1024x1xi32>
    %gt3A_119 = arith.cmpi sgt, %and3A_37, %gt3A_118 : vector<1024x1xi32>
    %convert_element_type3A_120 = arith.extui %gt3A_119 : vector<1024x1xi1> to vector<1024x1xi32>
    %add3A_121 = arith.addi %add3A_111, %convert_element_type3A_120 : vector<1024x1xi32>
    %gt3A_122 = arith.constant 255 : i32
    %gt3A_123 = vector.broadcast %gt3A_122 : i32 to vector<1024x1xi32>
    %gt3A_124 = arith.cmpi sgt, %and3A_43, %gt3A_123 : vector<1024x1xi32>
    %convert_element_type3A_125 = arith.extui %gt3A_124 : vector<1024x1xi1> to vector<1024x1xi32>
    %add3A_126 = arith.addi %add3A_116, %convert_element_type3A_125 : vector<1024x1xi32>
    %gt3A_127 = arith.constant 511 : i32
    %gt3A_128 = vector.broadcast %gt3A_127 : i32 to vector<1024x1xi32>
    %gt3A_129 = arith.cmpi sgt, %and3A_37, %gt3A_128 : vector<1024x1xi32>
    %convert_element_type3A_130 = arith.extui %gt3A_129 : vector<1024x1xi1> to vector<1024x1xi32>
    %add3A_131 = arith.addi %add3A_121, %convert_element_type3A_130 : vector<1024x1xi32>
    %gt3A_132 = arith.constant 511 : i32
    %gt3A_133 = vector.broadcast %gt3A_132 : i32 to vector<1024x1xi32>
    %gt3A_134 = arith.cmpi sgt, %and3A_43, %gt3A_133 : vector<1024x1xi32>
    %convert_element_type3A_135 = arith.extui %gt3A_134 : vector<1024x1xi1> to vector<1024x1xi32>
    %add3A_136 = arith.addi %add3A_126, %convert_element_type3A_135 : vector<1024x1xi32>
    %gt3A_137 = arith.constant 1023 : i32
    %gt3A_138 = vector.broadcast %gt3A_137 : i32 to vector<1024x1xi32>
    %gt3A_139 = arith.cmpi sgt, %and3A_37, %gt3A_138 : vector<1024x1xi32>
    %convert_element_type3A_140 = arith.extui %gt3A_139 : vector<1024x1xi1> to vector<1024x1xi32>
    %add3A_141 = arith.addi %add3A_131, %convert_element_type3A_140 : vector<1024x1xi32>
    %gt3A_142 = arith.constant 1023 : i32
    %gt3A_143 = vector.broadcast %gt3A_142 : i32 to vector<1024x1xi32>
    %gt3A_144 = arith.cmpi sgt, %and3A_43, %gt3A_143 : vector<1024x1xi32>
    %convert_element_type3A_145 = arith.extui %gt3A_144 : vector<1024x1xi1> to vector<1024x1xi32>
    %add3A_146 = arith.addi %add3A_136, %convert_element_type3A_145 : vector<1024x1xi32>
    %gt3A_147 = arith.constant 2047 : i32
    %gt3A_148 = vector.broadcast %gt3A_147 : i32 to vector<1024x1xi32>
    %gt3A_149 = arith.cmpi sgt, %and3A_37, %gt3A_148 : vector<1024x1xi32>
    %convert_element_type3A_150 = arith.extui %gt3A_149 : vector<1024x1xi1> to vector<1024x1xi32>
    %add3A_151 = arith.addi %add3A_141, %convert_element_type3A_150 : vector<1024x1xi32>
    %gt3A_152 = arith.constant 2047 : i32
    %gt3A_153 = vector.broadcast %gt3A_152 : i32 to vector<1024x1xi32>
    %gt3A_154 = arith.cmpi sgt, %and3A_43, %gt3A_153 : vector<1024x1xi32>
    %convert_element_type3A_155 = arith.extui %gt3A_154 : vector<1024x1xi1> to vector<1024x1xi32>
    %add3A_156 = arith.addi %add3A_146, %convert_element_type3A_155 : vector<1024x1xi32>
    %gt3A_157 = arith.constant 4095 : i32
    %gt3A_158 = vector.broadcast %gt3A_157 : i32 to vector<1024x1xi32>
    %gt3A_159 = arith.cmpi sgt, %and3A_37, %gt3A_158 : vector<1024x1xi32>
    %convert_element_type3A_160 = arith.extui %gt3A_159 : vector<1024x1xi1> to vector<1024x1xi32>
    %add3A_161 = arith.addi %add3A_151, %convert_element_type3A_160 : vector<1024x1xi32>
    %gt3A_162 = arith.constant 4095 : i32
    %gt3A_163 = vector.broadcast %gt3A_162 : i32 to vector<1024x1xi32>
    %gt3A_164 = arith.cmpi sgt, %and3A_43, %gt3A_163 : vector<1024x1xi32>
    %convert_element_type3A_165 = arith.extui %gt3A_164 : vector<1024x1xi1> to vector<1024x1xi32>
    %add3A_166 = arith.addi %add3A_156, %convert_element_type3A_165 : vector<1024x1xi32>
    %gt3A_167 = arith.constant 8191 : i32
    %gt3A_168 = vector.broadcast %gt3A_167 : i32 to vector<1024x1xi32>
    %gt3A_169 = arith.cmpi sgt, %and3A_37, %gt3A_168 : vector<1024x1xi32>
    %convert_element_type3A_170 = arith.extui %gt3A_169 : vector<1024x1xi1> to vector<1024x1xi32>
    %add3A_171 = arith.addi %add3A_161, %convert_element_type3A_170 : vector<1024x1xi32>
    %gt3A_172 = arith.constant 8191 : i32
    %gt3A_173 = vector.broadcast %gt3A_172 : i32 to vector<1024x1xi32>
    %gt3A_174 = arith.cmpi sgt, %and3A_43, %gt3A_173 : vector<1024x1xi32>
    %convert_element_type3A_175 = arith.extui %gt3A_174 : vector<1024x1xi1> to vector<1024x1xi32>
    %add3A_176 = arith.addi %add3A_166, %convert_element_type3A_175 : vector<1024x1xi32>
    %gt3A_177 = arith.constant 10000 : i32
    %gt3A_178 = vector.broadcast %gt3A_177 : i32 to vector<1024x1xi32>
    %gt3A_179 = arith.cmpi sgt, %and3A_37, %gt3A_178 : vector<1024x1xi32>
    %convert_element_type3A_180 = arith.extui %gt3A_179 : vector<1024x1xi1> to vector<1024x1xi32>
    %add3A_181 = arith.addi %add3A_171, %convert_element_type3A_180 : vector<1024x1xi32>
    %gt3A_182 = arith.constant 10000 : i32
    %gt3A_183 = vector.broadcast %gt3A_182 : i32 to vector<1024x1xi32>
    %gt3A_184 = arith.cmpi sgt, %and3A_43, %gt3A_183 : vector<1024x1xi32>
    %convert_element_type3A_185 = arith.extui %gt3A_184 : vector<1024x1xi1> to vector<1024x1xi32>
    %add3A_186 = arith.addi %add3A_176, %convert_element_type3A_185 : vector<1024x1xi32>
    %iota3A = tpu.iota {dimensions = array<i32: 1>} : vector<1024x32xi32>
    %eq3A = vector.broadcast %add3A_181 : vector<1024x1xi32> to vector<1024x32xi32>
    %eq3A_187 = arith.cmpi eq, %iota3A, %eq3A : vector<1024x32xi32>
    %add3A_188 = arith.constant 16 : i32
    %add3A_189 = vector.broadcast %add3A_188 : i32 to vector<1024x1xi32>
    %add3A_190 = arith.addi %add3A_186, %add3A_189 : vector<1024x1xi32>
    %eq3A_191 = vector.broadcast %add3A_190 : vector<1024x1xi32> to vector<1024x32xi32>
    %eq3A_192 = arith.cmpi eq, %iota3A, %eq3A_191 : vector<1024x32xi32>
    %or3A = arith.ori %eq3A_187, %eq3A_192 : vector<1024x32xi1>
    %convert_element_type3A_193 = arith.extui %or3A : vector<1024x32xi1> to vector<1024x32xi32>
    %convert_element_type3A_194 = arith.sitofp %convert_element_type3A_193 : vector<1024x32xi32> to vector<1024x32xf32>
    %get3A_195 = arith.constant 0 : index
    %get3A_196 = arith.constant 0 : index
    %get3A_197 = vector.load %arg7[%get3A_195, %get3A_196] : memref<32x128xf32, #tpu.memory_space<vmem>>, vector<32x128xf32>
    %dot_general3A_198 = arith.constant dense<0.000000e+00> : vector<1024x128xf32>
    %dot_general3A_199 = tpu.matmul %convert_element_type3A_194, %get3A_197, %dot_general3A_198 {dimension_numbers = #tpu.dot_dimension_numbers<[1], [0], [0], [1], [0, 0, 1, 1], [], []>, precision = #tpu.contract_precision<fp32>, transpose_lhs_hint = false} : vector<1024x32xf32>, vector<32x128xf32>, vector<1024x128xf32> -> vector<1024x128xf32>
    %add3A_200 = arith.addf %reshape3A_35, %dot_general3A_199 : vector<1024x128xf32>
    %reduce_sum3A = arith.constant dense<0.000000e+00> : vector<1024xf32>
    %reduce_sum3A_201 = vector.multi_reduction <add>, %add3A_200, %reduce_sum3A [1] : vector<1024x128xf32> to vector<1024xf32>
    %broadcast_in_dim3A_202 = vector.shape_cast %reduce_sum3A_201 : vector<1024xf32> to vector<1024x1xf32>
    %div3A = arith.constant 1.280000e+02 : f32
    %div3A_203 = vector.broadcast %div3A : f32 to vector<1024x1xf32>
    %div3A_204 = arith.divf %broadcast_in_dim3A_202, %div3A_203 : vector<1024x1xf32>
    %sub3A = vector.broadcast %div3A_204 : vector<1024x1xf32> to vector<1024x128xf32>
    %sub3A_205 = arith.subf %add3A_200, %sub3A : vector<1024x128xf32>
    %mul3A = arith.mulf %sub3A_205, %sub3A_205 : vector<1024x128xf32>
    %reduce_sum3A_206 = arith.constant dense<0.000000e+00> : vector<1024xf32>
    %reduce_sum3A_207 = vector.multi_reduction <add>, %mul3A, %reduce_sum3A_206 [1] : vector<1024x128xf32> to vector<1024xf32>
    %broadcast_in_dim3A_208 = vector.shape_cast %reduce_sum3A_207 : vector<1024xf32> to vector<1024x1xf32>
    %div3A_209 = arith.constant 1.280000e+02 : f32
    %div3A_210 = vector.broadcast %div3A_209 : f32 to vector<1024x1xf32>
    %div3A_211 = arith.divf %broadcast_in_dim3A_208, %div3A_210 : vector<1024x1xf32>
    %add3A_212 = arith.constant 9.99999974E-6 : f32
    %add3A_213 = vector.broadcast %add3A_212 : f32 to vector<1024x1xf32>
    %add3A_214 = arith.addf %div3A_211, %add3A_213 : vector<1024x1xf32>
    %rsqrt3A = math.rsqrt %add3A_214 : vector<1024x1xf32>
    %mul3A_215 = vector.broadcast %rsqrt3A : vector<1024x1xf32> to vector<1024x128xf32>
    %mul3A_216 = arith.mulf %sub3A_205, %mul3A_215 : vector<1024x128xf32>
    %get3A_217 = arith.constant 0 : index
    %get3A_218 = arith.constant 0 : index
    %get3A_219 = vector.load %arg8[%get3A_217, %get3A_218] : memref<1x128xf32, #tpu.memory_space<vmem>>, vector<1x128xf32>
    %mul3A_220 = vector.broadcast %get3A_219 : vector<1x128xf32> to vector<1024x128xf32>
    %mul3A_221 = arith.mulf %mul3A_216, %mul3A_220 : vector<1024x128xf32>
    %get3A_222 = arith.constant 0 : index
    %get3A_223 = arith.constant 0 : index
    %get3A_224 = vector.load %arg9[%get3A_222, %get3A_223] : memref<1x128xf32, #tpu.memory_space<vmem>>, vector<1x128xf32>
    %add3A_225 = vector.broadcast %get3A_224 : vector<1x128xf32> to vector<1024x128xf32>
    %add3A_226 = arith.addf %mul3A_221, %add3A_225 : vector<1024x128xf32>
    %swap3A = arith.constant 0 : index
    %swap3A_227 = arith.constant 0 : index
    %swap3A_228 = vector.load %arg10[%swap3A, %swap3A_227] : memref<1024x128xf32, #tpu.memory_space<vmem>>, vector<1024x128xf32>
    tpu.vector_store %arg10[%swap3A, %swap3A_227], %add3A_226 {strides = array<i32>} : memref<1024x128xf32, #tpu.memory_space<vmem>>, vector<1024x128xf32>,
    return
  }
  func.func @transform_0(%arg0: i32) -> (i32, i32) {
    %c0_i32 = arith.constant 0 : i32
    %c0_i32_0 = arith.constant 0 : i32
    return %arg0, %c0_i32 : i32, i32
  }
  func.func @transform_1(%arg0: i32) -> (i32, i32) {
    %c0_i32 = arith.constant 0 : i32
    %c0_i32_0 = arith.constant 0 : i32
    return %arg0, %c0_i32 : i32, i32
  }
  func.func @transform_2(%arg0: i32) -> (i32, i32) {
    %c0_i32 = arith.constant 0 : i32
    %c0_i32_0 = arith.constant 0 : i32
    %c0_i32_1 = arith.constant 0 : i32
    return %c0_i32, %c0_i32_0 : i32, i32
  }
  func.func @transform_3(%arg0: i32) -> (i32, i32) {
    %c0_i32 = arith.constant 0 : i32
    %c0_i32_0 = arith.constant 0 : i32
    %c0_i32_1 = arith.constant 0 : i32
    return %c0_i32, %c0_i32_0 : i32, i32
  }
  func.func @transform_4(%arg0: i32) -> (i32, i32) {
    %c0_i32 = arith.constant 0 : i32
    %c0_i32_0 = arith.constant 0 : i32
    %c0_i32_1 = arith.constant 0 : i32
    return %c0_i32, %c0_i32_0 : i32, i32
  }
  func.func @transform_5(%arg0: i32) -> (i32, i32) {
    %c0_i32 = arith.constant 0 : i32
    %c0_i32_0 = arith.constant 0 : i32
    %c0_i32_1 = arith.constant 0 : i32
    return %c0_i32, %c0_i32_0 : i32, i32
  }
  func.func @transform_6(%arg0: i32) -> (i32, i32) {
    %c0_i32 = arith.constant 0 : i32
    %c0_i32_0 = arith.constant 0 : i32
    %c0_i32_1 = arith.constant 0 : i32
    return %c0_i32, %c0_i32_0 : i32, i32
  }
  func.func @transform_7(%arg0: i32) -> (i32, i32) {
    %c0_i32 = arith.constant 0 : i32
    %c0_i32_0 = arith.constant 0 : i32
    %c0_i32_1 = arith.constant 0 : i32
    return %c0_i32, %c0_i32_0 : i32, i32
  }
  func.func @transform_8(%arg0: i32) -> (i32, i32) {
    %c0_i32 = arith.constant 0 : i32
    %c0_i32_0 = arith.constant 0 : i32
    %c0_i32_1 = arith.constant 0 : i32
    return %c0_i32, %c0_i32_0 : i32, i32
  }
  func.func @transform_9(%arg0: i32) -> (i32, i32) {
    %c0_i32 = arith.constant 0 : i32
    %c0_i32_0 = arith.constant 0 : i32
    return %arg0, %c0_i32 : i32, i32
  }
}

</mosaic_0001>

<sc_bundles>
// kernel: kernel.4.cloned.1.call-start
scs
__scs_entry_jumppad:
0x0: {  	(pc) =	sbr.rel $0x88, $3  }
0x1: {  	(tag) =	ssettag $0x0;
	lr =	simm.s32 $0x1  }
0x2: {  	[smem:$0x3F93] =	sst lr;
	_ =	strace $0xD0000000  }
0x3: {  	_ = 	snop  }
0x4: {  	_ = 	snop  }
0x5: {  	_ = 	snop  }
0x6: {  	_ = 	snop  }
0x7: {  	_ = 	snop  }
__scs_overlays_trampoline_lowered:
0x8: {  	[smem:$0x3FA2] =	sst s0  }
0x9: {  	[smem:$0x3FA3] =	sst s1  }
0xa: {  	[smem:$0x3FA4] =	sst s2  }
0xb: {  	[smem:$0x3FA5] =	sst s3  }
0xc: {  	[smem:$0x3FA6] =	sst s4  }
0xd: {  	[smem:$0x3FA7] =	sst s5  }
0xe: {  	[smem:$0x3FA8] =	sst s6  }
0xf: {  	[smem:$0x3FA9] =	sst s7  }
0x10: {  	[smem:$0x3FAA] =	sst s8  }
0x11: {  	[smem:$0x3FAB] =	sst s9;
	s0 =	simm.s32 @!p0 $0x0  }
0x12: {  	s1 =	sld [smem:$0x3F91];
	s0 =	simm.s32 @p0 $0x1  }
0x13: {  	[smem:$0x3FAC] =	sst s0;
	s0 =	simm.s32 @!p1 $0x0  }
0x14: {  	s2 =	sld [smem:$0x3F90];
	s0 =	simm.s32 @p1 $0x1  }
0x15: {  	[smem:$0x3FAD] =	sst s0;
	s0 =	simm.s32 @!p2 $0x0  }
0x16: {  	s3 =	sld [smem:$0x3FDB];
	s0 =	simm.s32 @p2 $0x1  }
0x17: {  	s4 =	simm.s32 $0x1BF5;
	[smem:$0x3FAF] =	sst s0  }
0x18: {  	s0 =	sld [smem:$0x3F92];
	_ =	swait.ge [sflag:s4], $0x0  }
0x19: {  	s7 =	sld [smem:$0x3F93]  }
0x1a: {  	s8 =	sadd.s32 $0xFFFFE003, lr  }
0x1b: {  	s9 =	sadd.s32 $0xFFFFFEF7, lr;
	s5 =	simm.s32 $0xFFFFFFFF;
	p2 =	slt.u32 s8, $0xFFFFF086  }
0x1c: {  	p1 =	slt.u32 s9, $0xF7A;
	s5 =	simm.s32 @!p2 $0x0  }
0x1d: {  	s5 =	simm.s32 @p1 $0x1;
	p0 =	seq.s32 s7, s2  }
0x1e: {  	s7 =	smul.u32 @!p0 $0xF7A, s2;
	p2 =	seq.s32 @!p0 s5, $0x0  }
0x1f: {  	s9 =	smul.u32 $0xF7A, s1;
	s8 =	simm.s32 @!p0 $0x1BF5;
	p2 =	por !p2, p0  }
0x20: {  	[sflag:s8] =	ssyncset.s32 @!p0 $0xFFFFF086;
	s6 =	sadd.s32 @!p0 s3, s7;
	s7 =	simm.s32 @!p0 $0x108  }
0x21: {  	s3 =	sadd.s32 s3, s9;
	s6 =	sadd.s32 @!p0 $0x88, s6;
	s7 =	simm.s32 @p2 $0x1082  }
0x22: {  	[simem:s7], [sflag:s8] =	dma.local @!p0 [hbm:s6], $0xF7A  }
0x23: {  	s9 =	sor.u32 $0xD0000000, s2;
	s6 =	simm.s32 $0x108;
	_ =	swait.ge @!p0 [sflag:s8], $0x0  }
0x24: {  	s3 =	sadd.s32 $0x88, s3;
	s6 =	simm.s32 @!p1 $0x1082;
	[sflag:s4] =	ssyncset.s32 $0xFFFFF086  }
0x25: {  	[simem:s6], [sflag:s4] =	dma.local [hbm:s3], $0xF7A  }
0x26: {  	[smem:$0x3F93] =	sst s1;
	(tag) =	ssettag s2;
	_ =	strace s9  }
0x27: {  	s1 =	sld [smem:$0x3FA3]  }
0x28: {  	s2 =	sld [smem:$0x3FA4]  }
0x29: {  	s4 =	sld [smem:$0x3FA6]  }
0x2a: {  	p0 =	seq.s32 s5, $0x0;
	s5 =	sld [smem:$0x3FA7]  }
0x2b: {  	s6 =	sld [smem:$0x3FA8]  }
0x2c: {  	s7 =	sld [smem:$0x3FA9]  }
0x2d: {  	s3 =	simm.s32 $0x108;
	s8 =	sld [smem:$0x3FAA]  }
0x2e: {  	s3 =	simm.s32 @!p0 $0x1082;
	s9 =	sld [smem:$0x3FAB]  }
0x2f: {  	lr =	sadd.s32 s0, s3;
	s0 =	sld [smem:$0x3FA2]  }
0x30: {  	s3 =	sld [smem:$0x3FA5]  }
0x31: {  	[smem:$0x3FAE] =	sst s10  }
0x32: {  	s10 =	sld [smem:$0x3FAC];
	_ =	sdelay $0x3  }
0x33: {  	p0 =	seq.s32 s10, $0x1;
	s10 =	sld [smem:$0x3FAE];
	_ =	sdelay $0x3  }
0x34: {  	[smem:$0x3FAE] =	sst s10  }
0x35: {  	s10 =	sld [smem:$0x3FAD];
	_ =	sdelay $0x3  }
0x36: {  	p1 =	seq.s32 s10, $0x1;
	s10 =	sld [smem:$0x3FAE];
	_ =	sdelay $0x3  }
0x37: {  	[smem:$0x3FAE] =	sst s10  }
0x38: {  	s10 =	sld [smem:$0x3FAF]  }
0x39: {  	_ = 	snop;
	(pc) =	sbr.ind lr, $3  }
0x3a: {  	_ = 	snop  }
0x3b: {  	_ = 	snop  }
0x3c: {  	p2 =	seq.s32 s10, $0x1;
	s10 =	sld [smem:$0x3FAE]  }
0x3d: {  	_ =	shalt  }
0x3e: {  	_ =	shalt  }
0x3f: {  	_ =	shalt  }
0x40: {  	_ =	shalt  }
0x41: {  	_ =	shalt  }
0x42: {  	_ =	shalt  }
0x43: {  	_ =	shalt  }
0x44: {  	_ =	shalt  }
0x45: {  	_ =	shalt  }
0x46: {  	_ =	shalt  }
0x47: {  	_ =	shalt  }
0x48: {  	_ =	shalt  }
0x49: {  	_ =	shalt  }
0x4a: {  	_ =	shalt  }
0x4b: {  	_ =	shalt  }
0x4c: {  	_ =	shalt  }
0x4d: {  	_ =	shalt  }
0x4e: {  	_ =	shalt  }
0x4f: {  	_ =	shalt  }
0x50: {  	_ =	shalt  }
0x51: {  	_ =	shalt  }
0x52: {  	_ =	shalt  }
0x53: {  	_ =	shalt  }
0x54: {  	_ =	shalt  }
0x55: {  	_ =	shalt  }
0x56: {  	_ =	shalt  }
0x57: {  	_ =	shalt  }
0x58: {  	_ =	shalt  }
0x59: {  	_ =	shalt  }
0x5a: {  	_ =	shalt  }
0x5b: {  	_ =	shalt  }
0x5c: {  	_ =	shalt  }
0x5d: {  	_ =	shalt  }
0x5e: {  	_ =	shalt  }
0x5f: {  	_ =	shalt  }
0x60: {  	_ =	shalt  }
0x61: {  	_ =	shalt  }
0x62: {  	_ =	shalt  }
0x63: {  	_ =	shalt  }
0x64: {  	_ =	shalt  }
0x65: {  	_ =	shalt  }
0x66: {  	_ =	shalt  }
0x67: {  	_ =	shalt  }
0x68: {  	_ =	shalt  }
0x69: {  	_ =	shalt  }
0x6a: {  	_ =	shalt  }
0x6b: {  	_ =	shalt  }
0x6c: {  	_ =	shalt  }
0x6d: {  	_ =	shalt  }
0x6e: {  	_ =	shalt  }
0x6f: {  	_ =	shalt  }
0x70: {  	_ =	shalt  }
0x71: {  	_ =	shalt  }
0x72: {  	_ =	shalt  }
0x73: {  	_ =	shalt  }
0x74: {  	_ =	shalt  }
0x75: {  	_ =	shalt  }
0x76: {  	_ =	shalt  }
0x77: {  	_ =	shalt  }
0x78: {  	_ =	shalt  }
0x79: {  	_ =	shalt  }
0x7a: {  	_ =	shalt  }
0x7b: {  	_ =	shalt  }
0x7c: {  	_ =	shalt  }
0x7d: {  	_ =	shalt  }
0x7e: {  	_ =	shalt  }
0x7f: {  	_ =	shalt  }
0x80: {  	_ =	shalt  }
0x81: {  	_ =	shalt  }
0x82: {  	_ =	shalt  }
0x83: {  	_ =	shalt  }
0x84: {  	_ =	shalt  }
0x85: {  	_ =	shalt  }
0x86: {  	_ =	shalt  }
0x87: {  	_ =	shalt  }
.Lfunc_end0:
.L_simem_size_0:
called_computation_lowered:
.L_overlay_start_0:
0x88: {  	s2 =	sld [smem:$0x3FD9]  }
0x89: {  	s3 =	sld [smem:$0x3FFE];
	_ =	sdelay $0x1  }
0x8a: {  	s1 =	srdreg.scid  }
0x8b: {  	s0 =	sand.u32 $0x1, s1  }
0x8c: {  	s17 =	sshll.u32 s0, $0xA;
	s2 =	sadd.s32 s3, s2  }
0x8d: {  	s2 =	sadd.s32 s2, s17  }
0x8e: {  	[smem:$0x3FBA] =	sst s2  }
0x8f: {  	_ = 	snop  }
0x90: {  	s2 =	sld [smem:$0x3FC9]  }
0x91: {  	s18 =	sld [smem:$0x3FC0]  }
0x92: {  	s4 =	sld [smem:$0x3FD0];
	(tm) =	ssettm $0x1  }
0x93: {  	s5 =	sld [smem:$0x3FFB];
	_ =	sdelay $0x3  }
0x94: {  	_ =	strace s5  }
0x95: {  	s5 =	sld [smem:$0x3FFC];
	_ =	sdelay $0x3  }
0x96: {  	_ =	strace s5  }
0x97: {  	s5 =	sld [smem:$0x3FFD];
	_ =	sdelay $0x3  }
0x98: {  	_ =	strace s5  }
0x99: {  	_ =	strace $0x8FFFFFFF  }
0x9a: {  	s19 =	sld [smem:$0x3FDB];
	_ =	sdelay $0x1  }
0x9b: {  	s6 =	simm.s32 $_scs_section_size  }
0x9c: {  	s7 =	simm.s32 $_size__tile_overlayer_lowered;
	s8 =	simm.s32 $_tile_overlayer_lowered  }
0x9d: {  	s22 =	simm.s32 $0x1BFF;
	s21 =	sshll.u32 s8, $0x1;
	s5 =	sadd.s32 s6, s19  }
0x9e: {  	s9 =	simm.s32 $0x0;
	s20 =	sshll.u32 s7, $0x1;
	s7 =	sadd.s32 s21, s5  }
0x9f: {  	[timem:s9], [sflag:s22] =	dma.local [hbm:s7], s20  }
0xa0: {  	_ =	swait.ge [sflag:s22], s20  }
0xa1: {  	s6 =	ssub.s32 $0x0, s20;
	[sflag:s22] =	ssyncset.done $0x0  }
0xa2: {  	[sflag:s22] =	ssyncadd.s32 s6;
	_ =	sdelay $0x1  }
0xa3: {  	s23 =	simm.s32 $0x1B8B  }
0xa4: {  	_ =	swait.ge [sflag:s23], $0x1  }
0xa5: {  	[sflag:s23] =	ssyncset.done $0x0  }
0xa6: {  	s25 =	simm.s32 $0x1B8E;
	s24 =	sld [smem:$0x3FFE];
	[sflag:s23] =	ssyncadd.s32 $0xFFFFFFFF  }
0xa7: {  	s26 =	simm.s32 $execute0_lowered;
	[smem:$0x3FD2] =	sst s25  }
0xa8: {  	s7 =	sshll.u32 s26, $0x1;
	_ =	strace $0x80000046;
	[dreg:$0x1] =	wrdreg $0xFFFFFFFF  }
0xa9: {  	s28 =	simm.s32 $_size_execute0_lowered;
	s5 =	sadd.s32 s5, s7;
	[dreg:$0x0] =	wrdreg $0x0  }
0xaa: {  	s7 =	sshll.u32 s28, $0x1;
	[dreg:$0x2] =	wrdreg s5  }
0xab: {  	[dreg:$0x3] =	wrdreg s7  }
0xac: {  	[dreg:$0x4] =	wrdreg $0xC0  }
0xad: {  	_ =	task [dreg:s9], $0x5FFFF  }
0xae: {  	[dreg:$0x1] =	wrdreg $0xFFFFFFFF  }
0xaf: {  	[dreg:$0x0] =	wrdreg $0x60  }
0xb0: {  	[dreg:$0x2] =	wrdreg s2  }
0xb1: {  	[dreg:$0x3] =	wrdreg s18  }
0xb2: {  	[dreg:$0x4] =	wrdreg s4  }
0xb3: {  	[dreg:$0x5] =	wrdreg s24  }
0xb4: {  	[dreg:$0x6] =	wrdreg $0x9  }
0xb5: {  	_ =	task.clear_ibuf [dreg:s9], $0x7FFFF;
	_ =	strace $0x90000046  }
0xb6: {  	s29 =	simm.s32 $0x9;
	_ =	strace $0x80000048  }
0xb7: {  	_ =	swait.ge [sflag:s29], $0x1  }
0xb8: {  	[sflag:s29] =	ssyncadd.s32 $0xFFFFFFFF  }
0xb9: {  	_ =	strace $0x90000048  }
0xba: {  	_ =	sfence  }
0xbb: {  	s30 =	sld [smem:$0x0];
	_ =	sdelay $0x2  }
0xbc: {  	s31 =	sshll.u32 s1, $0xD;
	s1 =	sshrl.u32 s1, $0x2  }
0xbd: {  	s3 =	sand.u32 $0x4000, s31;
	s1 =	sadd.s32 s1, s30  }
0xbe: {  	s0 =	sor.u32 s3, s0;
	s1 =	sshll.u32 s1, $0x11  }
0xbf: {  	s0 =	sor.u32 s1, s0  }
0xc0: {  	s0 =	sadd.s32 $0x8F2B, s0  }
0xc1: {  	[sflag:s0] =	ssyncadd.remote.s32 $0x1  }
0xc2: {  	_ =	sfence.sel $0xFFFF  }
0xc3: {  	[dreg:$0x0] =	wrdreg $0xFFFFFFFF;
	(pc) =	sbr.abs _section_cstart, $3  }
0xc4: {  	[dreg:$0x1] =	wrdreg $0xFFFFFFFF  }
0xc5: {  	_ =	task.clear_ibuf [dreg:s9], $0x2FFFF;
	_ =	strace $0x9FFFFFFF  }
0xc6: {  	(tm) =	ssettm $0x7FFFFFFF  }
0xc7: {  	_ =	shalt  }
tec
execute0_lowered:
.L_overlay_start_1:
0x0: {  	(tag) =	ssettag $0x1  }
0x1: {  	s1 =	rddreg [dreg:$0x0]  }
0x2: {  	s5 =	rddreg [dreg:$0x1]  }
0x3: {  	s6 =	rddreg [dreg:$0x2]  }
0x4: {  	s7 =	rddreg [dreg:$0x3]  }
0x5: {  	s0 =	rddreg [dreg:$0x4];
	s4 =	srdreg.scid  }
0x6: {  	s3 =	simm.s32 $0x0;
	s2 =	stileid.u32;
	s13 =	simm.s32 $0x2000  }
0x7: {  	s14 =	simm.s32 $0x80;
	s15 =	simm.s32 $0x4000;
	s16 =	simm.s32 $0x8000  }
0x8: {  	s17 =	simm.s32 $0x1;
	s18 =	simm.s32 $0x2;
	s19 =	simm.s32 $0x0  }
0x9: {  	s8 =	sand.u32 $0x1, s4;
	[smem:$0x7FF] =	sst s3;
	s9 =	sshll.u32 s2, $0xD  }
0xa: {  	s4 =	sadd.s32 $0x6400, s7;
	s29 =	sshll.u32 s2, $0x11;
	s10 =	sshll.u32 s8, $0xC  }
0xb: {  	_ =	strace $0x80000047;
	s11 =	ssub.s32 $0x2, s8;
	s8 =	sshll.u32 s8, $0x10  }
0xc: {  	s9 =	sor.u32 s10, s9;
	s10 =	sadd.s32 s29, s7;
	s30 =	sshrl.u32 s11, $0x1  }
0xd: {  	s9 =	sshrl.u32 s9, $0x3;
	s11 =	ssub.s32 s11, s30;
	s31 =	sadd.s32 s8, s10  }
0xe: {  	s12 =	sadd.s32 s9, s7;
	s5 =	sadd.s32 s5, s9;
	s6 =	sadd.s32 s6, s9  }
0xf: {  	s8 =	smax.u32 s11, $0x1;
	s9 =	sadd.s32 $0xD600, s31;
	s11 =	simm.s32 $0x3  }
0x10: {  	s7 =	sadd.s32 $0x2400, s12;
	s10 =	sadd.s32 $0x9600, s12;
	s12 =	simm.s32 $0x1000  }
.LBB2_1:
0x11: {  	[tilespmem:s3], [sflag:$0x3] =	stream.linear.gather [hbm4b:s5+s3], $0x1000, $0x38;
	[tilespmem:$0x8080] =	vst v63  }
0x12: {  	_ =	swait.ge [sflag:s11], $0x1000  }
0x13: {  	[sflag:s11] =	ssyncset.done $0x0  }
0x14: {  	[sflag:s11] =	ssyncadd.s32 $0xFFFFF000  }
0x15: {  	[tilespmem:s12], [sflag:$0x3] =	stream.linear.gather [hbm4b:s6+s3], $0x1000, $0x38;
	[tilespmem:$0x8080] =	vst v63  }
0x16: {  	_ =	swait.ge [sflag:s11], $0x1000  }
0x17: {  	[sflag:s11] =	ssyncset.done $0x0  }
0x18: {  	[sflag:s11] =	ssyncadd.s32 $0xFFFFF000  }
0x19: {  	[tilespmem:s13], [sflag:$0x3] =	stream.linear.gather [hbm4b:s7+s3], $0x1000, $0x38;
	[tilespmem:$0x8080] =	vst v63  }
0x1a: {  	_ =	swait.ge [sflag:s11], $0x1000  }
0x1b: {  	[sflag:s11] =	ssyncset.done $0x0  }
0x1c: {  	s20 =	simm.s32 $0x0;
	[sflag:s11] =	ssyncadd.s32 $0xFFFFF000  }
0x1d: {  	v0 =	vld [tilespmem:s20+$0x1000]  }
0x1e: {  	v1 =	vld [tilespmem:s20+$0x2000]  }
0x1f: {  	s21 =	simm.s32 $0x40;
	v2 =	vld [tilespmem:s20+$0x0]  }
.LBB2_2:
0x20: {  	p0 =	sne.s32 s21, $0x3FC0  }
.Ltmp0:
0x21: {  	_ = 	snop;
	(pc) =	sbr.rel @p0 .LBB2_2-.Ltmp0, $4  }
0x22: {  	s22 =	sshra.s32 s21, $0x2  }
0x23: {  	v3 =	vmov v0;
	v0 =	vld [tilespmem:s22+$0x1000];
	vm0 =	veq.s32 v1, $0x0  }
0x24: {  	v1 =	vld [tilespmem:s22+$0x2000];
	v3 =	vsel vm0, v2, v3  }
0x25: {  	s21 =	sadd.s32 $0x40, s21;
	v2 =	vld [tilespmem:s22+$0x0];
	[tilespmem:s20+$0x3000] =	vst v3;
	s20 =	smov.u32 s22  }
0x26: {  	_ =	sdelay $0x2  }
0x27: {  	vm0 =	veq.s32 v1, $0x0  }
0x28: {  	v0 =	vsel vm0, v2, v0  }
0x29: {  	s30 =	simm.s32 $0x3000;
	[tilespmem:s20+$0x3000] =	vst v0  }
0x2a: {  	[tilespmem:s15], [sflag:$0x1] =	stream.indirect.gather [hbm4b:s1+s14], $0x80, s30, s14, $0xb8;
	[tilespmem:$0x8080] =	vst v63  }
0x2b: {  	s31 =	simm.s32 $0x0  }
0x2c: {  	[tilespmem:s16], [sflag:$0x2] =	stream.indirect.gather [hbm4b:s4+s14], $0x1, s31, s14, $0xb8;
	[tilespmem:$0x8080] =	vst v63  }
0x2d: {  	_ =	swait.ge [sflag:s17], $0x4000  }
0x2e: {  	[sflag:s17] =	ssyncset.done $0x0  }
0x2f: {  	[sflag:s17] =	ssyncadd.s32 $0xFFFFC000  }
0x30: {  	_ =	swait.ge [sflag:s18], $0x80  }
0x31: {  	[sflag:s18] =	ssyncset.done $0x0  }
0x32: {  	[sflag:s18] =	ssyncadd.s32 $0xFFFFFF80  }
0x33: {  	[hbm4b:s9+s3] =	stream.linear.scatter [tilespmem:s15], [sflag:$0x3], $0x4000, $0x38;
	[tilespmem:$0x8080] =	vst v63  }
0x34: {  	_ =	swait.ge [sflag:s11], $0x4000  }
0x35: {  	[sflag:s11] =	ssyncset.done $0x0  }
0x36: {  	[sflag:s11] =	ssyncadd.s32 $0xFFFFC000  }
0x37: {  	[hbm4b:s10+s3] =	stream.linear.scatter [tilespmem:s16], [sflag:$0x3], $0x80, $0x38;
	[tilespmem:$0x8080] =	vst v63  }
0x38: {  	s23 =	simm.s32 $0x400;
	s22 =	simm.s32 $0x80;
	_ =	swait.ge [sflag:s11], $0x80  }
0x39: {  	s21 =	sadd.s32 $0x800, s9;
	s20 =	sadd.s32 $0x10, s10;
	[sflag:s11] =	ssyncset.done $0x0  }
.LBB2_4:
0x3a: {  	s24 =	sadd.s32 $0x3000, s22  }
0x3b: {  	[sflag:s11] =	ssyncadd.s32 $0xFFFFFF80;
	s25 =	smov.u32 s23;
	s26 =	sadd.s32 $0x200, s23  }
0x3c: {  	[tilespmem:s15], [sflag:$0x1] =	stream.indirect.gather [hbm4b:s1+s14], $0x80, s24, s14, $0xb8;
	[tilespmem:$0x8080] =	vst v63  }
0x3d: {  	p0 =	sne.s32 s23, $0x3E00  }
0x3e: {  	[tilespmem:s16], [sflag:$0x2] =	stream.indirect.gather [hbm4b:s4+s14], $0x1, s22, s14, $0xb8;
	[tilespmem:$0x8080] =	vst v63  }
0x3f: {  	_ =	swait.ge [sflag:s17], $0x4000  }
0x40: {  	[sflag:s17] =	ssyncset.done $0x0  }
0x41: {  	[sflag:s17] =	ssyncadd.s32 $0xFFFFC000  }
0x42: {  	_ =	swait.ge [sflag:s18], $0x80  }
0x43: {  	[sflag:s18] =	ssyncset.done $0x0  }
0x44: {  	[sflag:s18] =	ssyncadd.s32 $0xFFFFFF80  }
0x45: {  	[hbm4b:s21+s3] =	stream.linear.scatter [tilespmem:s15], [sflag:$0x3], $0x4000, $0x38;
	[tilespmem:$0x8080] =	vst v63  }
0x46: {  	_ =	swait.ge [sflag:s11], $0x4000  }
.Ltmp1:
0x47: {  	[sflag:s11] =	ssyncset.done $0x0;
	(pc) =	sbr.rel @p0 .LBB2_4-.Ltmp1, $4  }
0x48: {  	[sflag:s11] =	ssyncadd.s32 $0xFFFFC000  }
0x49: {  	[hbm4b:s20+s3] =	stream.linear.scatter [tilespmem:s16], [sflag:$0x3], $0x80, $0x38;
	[tilespmem:$0x8080] =	vst v63  }
0x4a: {  	s23 =	smov.u32 s26;
	s20 =	sadd.s32 $0x10, s20;
	_ =	swait.ge [sflag:s11], $0x80  }
0x4b: {  	s22 =	sshra.s32 s25, $0x2;
	s21 =	sadd.s32 $0x800, s21;
	[sflag:s11] =	ssyncset.done $0x0  }
0x4c: {  	s23 =	sadd.s32 $0x3000, s22;
	[sflag:s11] =	ssyncadd.s32 $0xFFFFFF80  }
0x4d: {  	[tilespmem:s15], [sflag:$0x1] =	stream.indirect.gather [hbm4b:s1+s14], $0x80, s23, s14, $0xb8;
	[tilespmem:$0x8080] =	vst v63  }
0x4e: {  	_ = 	snop  }
0x4f: {  	[tilespmem:s16], [sflag:$0x2] =	stream.indirect.gather [hbm4b:s4+s14], $0x1, s22, s14, $0xb8;
	[tilespmem:$0x8080] =	vst v63  }
0x50: {  	_ =	swait.ge [sflag:s17], $0x4000  }
0x51: {  	[sflag:s17] =	ssyncset.done $0x0  }
0x52: {  	[sflag:s17] =	ssyncadd.s32 $0xFFFFC000  }
0x53: {  	_ =	swait.ge [sflag:s18], $0x80  }
0x54: {  	[sflag:s18] =	ssyncset.done $0x0  }
0x55: {  	[sflag:s18] =	ssyncadd.s32 $0xFFFFFF80  }
0x56: {  	[hbm4b:s21+s3] =	stream.linear.scatter [tilespmem:s15], [sflag:$0x3], $0x4000, $0x38;
	[tilespmem:$0x8080] =	vst v63  }
0x57: {  	s19 =	sadd.s32 $0x1, s19;
	_ =	swait.ge [sflag:s11], $0x4000  }
0x58: {  	p0 =	sne.s32 s19, s8;
	[sflag:s11] =	ssyncset.done $0x0  }
.Ltmp2:
0x59: {  	[sflag:s11] =	ssyncadd.s32 $0xFFFFC000;
	(pc) =	sbr.rel @p0 .LBB2_1-.Ltmp2, $4  }
0x5a: {  	[hbm4b:s20+s3] =	stream.linear.scatter [tilespmem:s16], [sflag:$0x3], $0x80, $0x38;
	[tilespmem:$0x8080] =	vst v63  }
0x5b: {  	_ =	swait.ge [sflag:s11], $0x80  }
0x5c: {  	[sflag:s11] =	ssyncset.done $0x0  }
0x5d: {  	[sflag:s11] =	ssyncadd.s32 $0xFFFFFF80  }
0x5e: {  	_ =	sfence.sel $0x180000  }
0x5f: {  	[bflag:$0x0] =	sbarrier.arrive $0xFFFF  }
0x60: {  	p0 =	sne.s32 s2, $0x0;
	_ =	strace $0x90000047  }
0x61: {  	s0 =	sadd.s32 @!p0 $0x100000, s0;
	[bflag:$0x2] =	sbarrier.arrive $0xFFFF  }
0x62: {  	[sflag:s0] =	ssyncadd.tile.s32 @!p0 $0x1;
	_ =	shalt  }
.Lfunc_end2:
_tile_overlayer_lowered:
.L_overlay_start_2:
0x63: {  	(tag) =	ssettag $0x2  }
0x64: {  	s0 =	rddreg [dreg:$0x0];
	s2 =	stileid.u32  }
0x65: {  	s1 =	rddreg [dreg:$0x1];
	p0 =	sne.s32 s2, $0x0  }
0x66: {  	s3 =	rddreg [dreg:$0x2];
	[bflag:$0x3] =	sbarrier.arrive $0xFFFF;
	s2 =	simm.s32 @!p0 $0x1C03  }
0x67: {  	[timem:s3], [sflag:s2] =	dma.local @!p0 [hbm:s0], s1  }
0x68: {  	s0 =	simm.s32 @!p0 $0x3  }
0x69: {  	_ =	swait.ge @!p0 [sflag:s0], s1  }
0x6a: {  	s1 =	ssub.s32 @!p0 $0x0, s1;
	[sflag:s0] =	ssyncset.done @!p0 $0x0  }
0x6b: {  	[sflag:s0] =	ssyncadd.s32 @!p0 s1  }
0x6c: {  	[bflag:$0x3] =	sbarrier.arrive $0xFFFF  }
0x6d: {  	_ =	shalt  }

</sc_bundles>
